<compile_context>
chip_gen: v7x
topology: tpu7x:2x2x1
jax: 0.10.2.dev20260603
libtpu: 0.0.44.dev20260713+nightly
codegen_flags: <defaults>
</compile_context>

<pallas_src>
import functools

import jax
import jax.numpy as jnp
from jax import lax
from jax.experimental import pallas as pl
from jax.experimental.pallas import tpu as pltpu
from jax.experimental.pallas import tpu_sc as plsc

_NC = 2
_NS = 16
_NW = _NC * _NS
_L = 16


def _sc_mesh():
    return plsc.VectorSubcoreMesh(
        core_axis_name="c", subcore_axis_name="s",
        num_cores=_NC, num_subcores=_NS)


def _wid():
    return lax.axis_index("s") * _NC + lax.axis_index("c")


def _zero_ref(ref):
    zeros = jnp.zeros((_L,), jnp.float32)

    @plsc.parallel_loop(0, ref.shape[0] // _L, unroll=4)
    def _(i):
        ref[pl.ds(i * _L, _L)] = zeros


_ECH = 128


def _chunk_range(ei_hbm):
    ncw = ei_hbm.shape[1] // _ECH
    wid = _wid()
    c0 = wid * ncw // _NW
    c1 = (wid + 1) * ncw // _NW
    return c0, c1


def _deg_body(ei_hbm, out_hbm, ed_v, acc_v, sem):
    c0, c1 = _chunk_range(ei_hbm)
    cp = pltpu.async_copy(ei_hbm.at[:, pl.ds(c0 * _ECH, ed_v.shape[1])], ed_v, sem)
    _zero_ref(acc_v)
    cp.wait()
    ones = jnp.ones((_L,), jnp.float32)

    @plsc.parallel_loop(0, (c1 - c0) * (_ECH // _L), unroll=8)
    def _(i):
        d = ed_v[1, pl.ds(i * _L, _L)]
        plsc.addupdate_scatter(acc_v, [d], ones)

    pltpu.sync_copy(acc_v, out_hbm.at[_wid()])


def _deg_call(edge_index, npad):
    e = edge_index.shape[1]
    cmax = e // _ECH // _NW + 1
    fn = pl.kernel(
        _deg_body,
        out_type=jax.ShapeDtypeStruct((_NW, npad), jnp.float32),
        mesh=_sc_mesh(),
        compiler_params=pltpu.CompilerParams(needs_layout_passes=False),
        scratch_types=[
            pltpu.VMEM((2, cmax * _ECH), jnp.int32),
            pltpu.VMEM((npad,), jnp.float32),
            pltpu.SemaphoreType.DMA,
        ],
    )
    return fn(edge_index)


def _msg_body(ei_hbm, g_hbm, out_hbm, ed_v, g_v, acc_v, sem):
    c0, c1 = _chunk_range(ei_hbm)
    cp1 = pltpu.async_copy(g_hbm, g_v, sem)
    cp2 = pltpu.async_copy(ei_hbm.at[:, pl.ds(c0 * _ECH, ed_v.shape[1])], ed_v, sem)
    _zero_ref(acc_v)
    cp1.wait()
    cp2.wait()

    @plsc.parallel_loop(0, (c1 - c0) * (_ECH // _L), unroll=8)
    def _(i):
        s = ed_v[0, pl.ds(i * _L, _L)]
        d = ed_v[1, pl.ds(i * _L, _L)]
        vals = plsc.load_gather(g_v, [s])
        plsc.addupdate_scatter(acc_v, [d], vals)

    pltpu.sync_copy(acc_v, out_hbm.at[_wid()])


def _msg_call(edge_index, g, npad):
    e = edge_index.shape[1]
    cmax = e // _ECH // _NW + 1
    fn = pl.kernel(
        _msg_body,
        out_type=jax.ShapeDtypeStruct((_NW, npad), jnp.float32),
        mesh=_sc_mesh(),
        compiler_params=pltpu.CompilerParams(needs_layout_passes=False),
        scratch_types=[
            pltpu.VMEM((2, cmax * _ECH), jnp.int32),
            pltpu.VMEM((npad,), jnp.float32),
            pltpu.VMEM((npad,), jnp.float32),
            pltpu.SemaphoreType.DMA,
        ],
    )
    return fn(edge_index, g)


def _prep_body(x_ref, w_ref, degp_ref, g_ref, dis_ref):
    n = x_ref.shape[0]
    deg = jnp.sum(degp_ref[...], axis=0, keepdims=True) + 1.0
    dis = lax.rsqrt(deg)
    h = lax.dot_general(w_ref[...], x_ref[...], (((1,), (1,)), ((), ())),
                        preferred_element_type=jnp.float32)
    g_ref[...] = jnp.zeros_like(g_ref)
    g_ref[:, :n] = dis[:, :n] * h
    dis_ref[...] = dis


def _prep_call(x, w_row, degp, npad):
    shape = jax.ShapeDtypeStruct((1, npad), jnp.float32)
    return pl.pallas_call(
        _prep_body,
        out_shape=(shape, shape),
    )(x, w_row, degp)


def _fin_body(accp_ref, g_ref, dis_ref, b_ref, out_ref):
    n = out_ref.shape[1]
    tot = jnp.sum(accp_ref[:, :n], axis=0, keepdims=True)
    z = dis_ref[:, :n] * (tot + g_ref[:, :n]) + b_ref[0, 0]
    out_ref[...] = jnp.maximum(z, 0.0) + jnp.log1p(jnp.exp(-jnp.abs(z)))


def _fin_call(accp, g_row, dis_row, b, n):
    return pl.pallas_call(
        _fin_body,
        out_shape=jax.ShapeDtypeStruct((1, n), jnp.float32),
    )(accp, g_row, dis_row, b.reshape(1, 1))


@jax.jit
def kernel(x, edge_index, W, b):
    n, d = x.shape
    e = edge_index.shape[1]
    npad = -(-n // (_NS * _L)) * (_NS * _L)
    degp = _deg_call(edge_index, npad)
    g_row, dis_row = _prep_call(x, W.reshape(1, d), degp, npad)
    accp = _msg_call(edge_index, g_row.reshape(npad), npad)
    out_row = _fin_call(accp, g_row, dis_row, b, n)
    return out_row.reshape(n, 1)

# --- scband reference (transcript-rebuilt; emitter-appended) ---
"""Pipeline reference for scband-mu-16630113370940 (READ-ONLY COPY).

The authoritative reference and input builder live on the scoring server;
editing this copy changes nothing except your own understanding.
"""

import jax, jax.numpy as jnp
import numpy as np

N_NODES = 10000
N_EDGES = 320000
D_FEAT = 128

def setup_inputs(seed: int = 0) -> dict:
    key = jax.random.key(seed)
    k1, k2, k3, k4 = jax.random.split(key, 4)
    x = jax.random.normal(k1, (N_NODES, D_FEAT), dtype=jnp.float32)
    edge_index = jax.random.randint(k2, (2, N_EDGES), 0, N_NODES, dtype=jnp.int32)
    # GCNConv learned params: weight (in_channels -> 1), bias (1,)
    limit = float(np.sqrt(6.0 / (D_FEAT + 1)))  # glorot init as in PyG
    W = jax.random.uniform(k3, (D_FEAT, 1), minval=-limit, maxval=limit, dtype=jnp.float32)
    b = jnp.zeros((1,), dtype=jnp.float32)
    return {"x": x, "edge_index": edge_index, "W": W, "b": b}

def reference(x, edge_index, W, b):
    # Faithful GCNConv (add_self_loops=True, symmetric normalization) + Softplus
    n = x.shape[0]
    loop = jnp.arange(n, dtype=edge_index.dtype)
    src = jnp.concatenate([edge_index[0], loop])
    dst = jnp.concatenate([edge_index[1], loop])
    # degree on destination nodes (edge_weight = 1)
    deg = jnp.zeros((n,), dtype=x.dtype).at[dst].add(1.0)
    deg_inv_sqrt = jnp.where(deg > 0, 1.0 / jnp.sqrt(deg), 0.0)
    norm = deg_inv_sqrt[src] * deg_inv_sqrt[dst]
    # linear transform first (out_channels=1), then propagate
    h = x @ W  # [N, 1]
    msg = h[src] * norm[:, None]  # gather
    out = jnp.zeros((n, h.shape[1]), dtype=x.dtype).at[dst].add(msg)  # scatter-add
    out = out + b
    return jax.nn.softplus(out)

if __name__ == "__main__":
    import jax
    _d = setup_inputs()
    print(jax.jit(kernel)(*tuple(_d.values())))

</pallas_src>

<mosaic_0001>
#map = affine_map<(d0, d1) -> (0, 0)>
module attributes {stable_mosaic.version = 14 : i64} {
  func.func @_deg_body(%arg0: i32, %arg1: i32, %arg2: memref<2x320000xi32, #tpu.memory_space<hbm>>, %arg3: memref<32x10240xf32, #tpu.memory_space<hbm>>, %arg4: memref<2x10112xi32, #tpu.memory_space<vmem>>, %arg5: memref<10240xf32, #tpu.memory_space<vmem>>, %arg6: memref<!tpu.dma_semaphore, #tpu.memory_space<semaphore_mem>>) attributes {dimension_semantics = [#tpu.dimension_semantics<core_parallel>, #tpu.dimension_semantics<subcore_parallel>], iteration_bounds = array<i64: 2, 16>, scalar_prefetch = 0 : i64, scratch_operands = 3 : i64, tpu.core_type = #tpu.core_type<sc_vector_subcore>, window_params = [{transform_indices = #map}, {transform_indices = #map}]} {
    %mul3A = arith.constant 2 : i32
    %mul3A_0 = arith.muli %arg1, %mul3A : i32
    %add3A = arith.addi %mul3A_0, %arg0 : i32
    %mul3A_1 = arith.constant 2500 : i32
    %mul3A_2 = arith.muli %add3A, %mul3A_1 : i32
    %jit3A = arith.constant 32 : i32
    %div3A = arith.divsi %mul3A_2, %jit3A : i32
    %sign3A = arith.constant 0 : i32
    %sign3A_3 = arith.cmpi sgt, %mul3A_2, %sign3A : i32
    %sign3A_4 = arith.extui %sign3A_3 : i1 to i32
    %sign3A_5 = arith.constant 0 : i32
    %sign3A_6 = arith.cmpi slt, %mul3A_2, %sign3A_5 : i32
    %sign3A_7 = arith.extui %sign3A_6 : i1 to i32
    %sign3A_8 = arith.subi %sign3A_4, %sign3A_7 : i32
    %sign3A_9 = arith.constant 0 : i32
    %sign3A_10 = arith.cmpi sgt, %jit3A, %sign3A_9 : i32
    %sign3A_11 = arith.extui %sign3A_10 : i1 to i32
    %sign3A_12 = arith.constant 0 : i32
    %sign3A_13 = arith.cmpi slt, %jit3A, %sign3A_12 : i32
    %sign3A_14 = arith.extui %sign3A_13 : i1 to i32
    %sign3A_15 = arith.subi %sign3A_11, %sign3A_14 : i32
    %ne3A = arith.cmpi ne, %sign3A_8, %sign3A_15 : i32
    %rem3A = arith.remsi %mul3A_2, %jit3A : i32
    %ne3A_16 = arith.constant 0 : i32
    %ne3A_17 = arith.cmpi ne, %rem3A, %ne3A_16 : i32
    %and3A = arith.andi %ne3A, %ne3A_17 : i1
    %sub3A = arith.constant 1 : i32
    %sub3A_18 = arith.subi %div3A, %sub3A : i32
    %select_n3A = arith.select %and3A, %sub3A_18, %div3A : i32
    %add3A_19 = arith.constant 1 : i32
    %add3A_20 = arith.addi %add3A, %add3A_19 : i32
    %mul3A_21 = arith.constant 2500 : i32
    %mul3A_22 = arith.muli %add3A_20, %mul3A_21 : i32
    %jit3A_23 = arith.constant 32 : i32
    %div3A_24 = arith.divsi %mul3A_22, %jit3A_23 : i32
    %sign3A_25 = arith.constant 0 : i32
    %sign3A_26 = arith.cmpi sgt, %mul3A_22, %sign3A_25 : i32
    %sign3A_27 = arith.extui %sign3A_26 : i1 to i32
    %sign3A_28 = arith.constant 0 : i32
    %sign3A_29 = arith.cmpi slt, %mul3A_22, %sign3A_28 : i32
    %sign3A_30 = arith.extui %sign3A_29 : i1 to i32
    %sign3A_31 = arith.subi %sign3A_27, %sign3A_30 : i32
    %sign3A_32 = arith.constant 0 : i32
    %sign3A_33 = arith.cmpi sgt, %jit3A_23, %sign3A_32 : i32
    %sign3A_34 = arith.extui %sign3A_33 : i1 to i32
    %sign3A_35 = arith.constant 0 : i32
    %sign3A_36 = arith.cmpi slt, %jit3A_23, %sign3A_35 : i32
    %sign3A_37 = arith.extui %sign3A_36 : i1 to i32
    %sign3A_38 = arith.subi %sign3A_34, %sign3A_37 : i32
    %ne3A_39 = arith.cmpi ne, %sign3A_31, %sign3A_38 : i32
    %rem3A_40 = arith.remsi %mul3A_22, %jit3A_23 : i32
    %ne3A_41 = arith.constant 0 : i32
    %ne3A_42 = arith.cmpi ne, %rem3A_40, %ne3A_41 : i32
    %and3A_43 = arith.andi %ne3A_39, %ne3A_42 : i1
    %sub3A_44 = arith.constant 1 : i32
    %sub3A_45 = arith.subi %div3A_24, %sub3A_44 : i32
    %select_n3A_46 = arith.select %and3A_43, %sub3A_45, %div3A_24 : i32
    %mul3A_47 = arith.constant 128 : i32
    %mul3A_48 = arith.muli %select_n3A, %mul3A_47 : i32
    %dma_start3A = arith.constant 0 : i32
    %dma_start3A_49 = tpu.memref_slice %arg2[%dma_start3A, %mul3A_48] : memref<2x320000xi32, #tpu.memory_space<hbm>> -> memref<2x10112xi32, #tpu.memory_space<hbm>>
    %dma_start3A_50 = arith.constant 0 : i32
    %dma_start3A_51 = tpu.memref_slice %arg2[%dma_start3A_50, %mul3A_48] : memref<2x320000xi32, #tpu.memory_space<hbm>> -> memref<2x10112xi32, #tpu.memory_space<hbm>>
    tpu.enqueue_dma source(%dma_start3A_51 : memref<2x10112xi32, #tpu.memory_space<hbm>>) target(%arg4 : memref<2x10112xi32, #tpu.memory_space<vmem>>) target_semaphore(%arg6 : memref<!tpu.dma_semaphore, #tpu.memory_space<semaphore_mem>>)
    %broadcast_in_dim3A = arith.constant 0.000000e+00 : f32
    %broadcast_in_dim3A_52 = vector.broadcast %broadcast_in_dim3A : f32 to vector<16xf32>
    %parallel_loop3A = arith.constant 0 : i32
    %parallel_loop3A_53 = arith.constant 640 : i32
    %parallel_loop3A_54 = arith.constant 1 : i32
    scf.for %parallel_loop3A_68 = %parallel_loop3A to %parallel_loop3A_53 step %parallel_loop3A_54  : i32 {
      %parallel_loop3A_69 = arith.constant 16 : i32
      %parallel_loop3A_70 = arith.muli %parallel_loop3A_68, %parallel_loop3A_69 : i32
      %parallel_loop3A_71 = arith.index_cast %parallel_loop3A_70 : i32 to index
      %parallel_loop3A_72 = tpu.vector_load %arg5[%parallel_loop3A_71] {strides = array<i32>} : memref<10240xf32, #tpu.memory_space<vmem>>, vector<16xf32>,
      tpu.vector_store %arg5[%parallel_loop3A_71], %broadcast_in_dim3A_52 {strides = array<i32>} : memref<10240xf32, #tpu.memory_space<vmem>>, vector<16xf32>,
    } {sc.loop_unroll_factor = 4 : i64, sc.parallel_access}
    %dma_wait3A = arith.constant 0 : i32
    %dma_wait3A_55 = tpu.memref_slice %arg2[%dma_wait3A, %mul3A_48] : memref<2x320000xi32, #tpu.memory_space<hbm>> -> memref<2x10112xi32, #tpu.memory_space<hbm>>
    %dma_wait3A_56 = arith.constant 0 : i32
    %dma_wait3A_57 = tpu.memref_slice %arg2[%dma_wait3A_56, %mul3A_48] : memref<2x320000xi32, #tpu.memory_space<hbm>> -> memref<2x10112xi32, #tpu.memory_space<hbm>>
    tpu.wait_dma2 semaphore(%arg6 : memref<!tpu.dma_semaphore, #tpu.memory_space<semaphore_mem>>) src(%dma_wait3A_57 : memref<2x10112xi32, #tpu.memory_space<hbm>>) dst(%arg4 : memref<2x10112xi32, #tpu.memory_space<vmem>>)
    %broadcast_in_dim3A_58 = arith.constant 1.000000e+00 : f32
    %broadcast_in_dim3A_59 = vector.broadcast %broadcast_in_dim3A_58 : f32 to vector<16xf32>
    %sub3A_60 = arith.subi %select_n3A_46, %select_n3A : i32
    %mul3A_61 = arith.constant 8 : i32
    %mul3A_62 = arith.muli %sub3A_60, %mul3A_61 : i32
    %parallel_loop3A_63 = arith.constant 0 : i32
    %parallel_loop3A_64 = arith.constant 1 : i32
    scf.for %parallel_loop3A_68 = %parallel_loop3A_63 to %mul3A_62 step %parallel_loop3A_64  : i32 {
      %parallel_loop3A_69 = arith.constant 16 : i32
      %parallel_loop3A_70 = arith.muli %parallel_loop3A_68, %parallel_loop3A_69 : i32
      %parallel_loop3A_71 = arith.constant 1 : i32
      %parallel_loop3A_72 = arith.index_cast %parallel_loop3A_71 : i32 to index
      %parallel_loop3A_73 = arith.index_cast %parallel_loop3A_70 : i32 to index
      %parallel_loop3A_74 = tpu.vector_load %arg4[%parallel_loop3A_72, %parallel_loop3A_73] {strides = array<i32>} : memref<2x10112xi32, #tpu.memory_space<vmem>>, vector<16xi32>,
      tpu.vector_store_idx %arg5[%parallel_loop3A_74], %broadcast_in_dim3A_59 {add = true} : memref<10240xf32, #tpu.memory_space<vmem>>[vector<16xi32>], vector<16xf32>,
    } {sc.loop_unroll_factor = 8 : i64, sc.parallel_access}
    %mul3A_65 = arith.constant 2 : i32
    %mul3A_66 = arith.muli %arg1, %mul3A_65 : i32
    %add3A_67 = arith.addi %mul3A_66, %arg0 : i32
    "tpu.region"() ({
      %run_scoped3A = tpu.sem_alloc : memref<!tpu.dma_semaphore, #tpu.memory_space<semaphore_mem>>
      %dma_start3A_68 = arith.constant 0 : i32
      %dma_start3A_69 = tpu.memref_slice %arg3[%add3A_67, %dma_start3A_68] : memref<32x10240xf32, #tpu.memory_space<hbm>> -> memref<1x10240xf32, #tpu.memory_space<hbm>>
      %dma_start3A_70 = tpu.memref_squeeze %dma_start3A_69 : memref<1x10240xf32, #tpu.memory_space<hbm>> -> memref<10240xf32, #tpu.memory_space<hbm>>
      %dma_start3A_71 = arith.constant 0 : i32
      %dma_start3A_72 = tpu.memref_slice %arg3[%add3A_67, %dma_start3A_71] : memref<32x10240xf32, #tpu.memory_space<hbm>> -> memref<1x10240xf32, #tpu.memory_space<hbm>>
      %dma_start3A_73 = tpu.memref_squeeze %dma_start3A_72 : memref<1x10240xf32, #tpu.memory_space<hbm>> -> memref<10240xf32, #tpu.memory_space<hbm>>
      tpu.enqueue_dma source(%arg5 : memref<10240xf32, #tpu.memory_space<vmem>>) target(%dma_start3A_73 : memref<10240xf32, #tpu.memory_space<hbm>>) target_semaphore(%run_scoped3A : memref<!tpu.dma_semaphore, #tpu.memory_space<semaphore_mem>>)
      %dma_wait3A_74 = arith.constant 0 : i32
      %dma_wait3A_75 = tpu.memref_slice %arg3[%add3A_67, %dma_wait3A_74] : memref<32x10240xf32, #tpu.memory_space<hbm>> -> memref<1x10240xf32, #tpu.memory_space<hbm>>
      %dma_wait3A_76 = tpu.memref_squeeze %dma_wait3A_75 : memref<1x10240xf32, #tpu.memory_space<hbm>> -> memref<10240xf32, #tpu.memory_space<hbm>>
      %dma_wait3A_77 = arith.constant 0 : i32
      %dma_wait3A_78 = tpu.memref_slice %arg3[%add3A_67, %dma_wait3A_77] : memref<32x10240xf32, #tpu.memory_space<hbm>> -> memref<1x10240xf32, #tpu.memory_space<hbm>>
      %dma_wait3A_79 = tpu.memref_squeeze %dma_wait3A_78 : memref<1x10240xf32, #tpu.memory_space<hbm>> -> memref<10240xf32, #tpu.memory_space<hbm>>
      tpu.wait_dma2 semaphore(%run_scoped3A : memref<!tpu.dma_semaphore, #tpu.memory_space<semaphore_mem>>) src(%arg5 : memref<10240xf32, #tpu.memory_space<vmem>>) dst(%dma_wait3A_79 : memref<10240xf32, #tpu.memory_space<hbm>>)
      tpu.yield
    }) : () -> ()
    return
  }
}

#map = affine_map<(d0, d1) -> (0, 0)>
#map1 = affine_map<(d0, d1) -> (0)>
module attributes {stable_mosaic.version = 14 : i64} {
  func.func @_msg_body(%arg0: i32, %arg1: i32, %arg2: memref<2x320000xi32, #tpu.memory_space<hbm>>, %arg3: memref<10240xf32, #tpu.memory_space<hbm>>, %arg4: memref<32x10240xf32, #tpu.memory_space<hbm>>, %arg5: memref<2x10112xi32, #tpu.memory_space<vmem>>, %arg6: memref<10240xf32, #tpu.memory_space<vmem>>, %arg7: memref<10240xf32, #tpu.memory_space<vmem>>, %arg8: memref<!tpu.dma_semaphore, #tpu.memory_space<semaphore_mem>>) attributes {dimension_semantics = [#tpu.dimension_semantics<core_parallel>, #tpu.dimension_semantics<subcore_parallel>], iteration_bounds = array<i64: 2, 16>, scalar_prefetch = 0 : i64, scratch_operands = 4 : i64, tpu.core_type = #tpu.core_type<sc_vector_subcore>, window_params = [{transform_indices = #map}, {transform_indices = #map1}, {transform_indices = #map}]} {
    %mul3A = arith.constant 2 : i32
    %mul3A_0 = arith.muli %arg1, %mul3A : i32
    %add3A = arith.addi %mul3A_0, %arg0 : i32
    %mul3A_1 = arith.constant 2500 : i32
    %mul3A_2 = arith.muli %add3A, %mul3A_1 : i32
    %jit3A = arith.constant 32 : i32
    %div3A = arith.divsi %mul3A_2, %jit3A : i32
    %sign3A = arith.constant 0 : i32
    %sign3A_3 = arith.cmpi sgt, %mul3A_2, %sign3A : i32
    %sign3A_4 = arith.extui %sign3A_3 : i1 to i32
    %sign3A_5 = arith.constant 0 : i32
    %sign3A_6 = arith.cmpi slt, %mul3A_2, %sign3A_5 : i32
    %sign3A_7 = arith.extui %sign3A_6 : i1 to i32
    %sign3A_8 = arith.subi %sign3A_4, %sign3A_7 : i32
    %sign3A_9 = arith.constant 0 : i32
    %sign3A_10 = arith.cmpi sgt, %jit3A, %sign3A_9 : i32
    %sign3A_11 = arith.extui %sign3A_10 : i1 to i32
    %sign3A_12 = arith.constant 0 : i32
    %sign3A_13 = arith.cmpi slt, %jit3A, %sign3A_12 : i32
    %sign3A_14 = arith.extui %sign3A_13 : i1 to i32
    %sign3A_15 = arith.subi %sign3A_11, %sign3A_14 : i32
    %ne3A = arith.cmpi ne, %sign3A_8, %sign3A_15 : i32
    %rem3A = arith.remsi %mul3A_2, %jit3A : i32
    %ne3A_16 = arith.constant 0 : i32
    %ne3A_17 = arith.cmpi ne, %rem3A, %ne3A_16 : i32
    %and3A = arith.andi %ne3A, %ne3A_17 : i1
    %sub3A = arith.constant 1 : i32
    %sub3A_18 = arith.subi %div3A, %sub3A : i32
    %select_n3A = arith.select %and3A, %sub3A_18, %div3A : i32
    %add3A_19 = arith.constant 1 : i32
    %add3A_20 = arith.addi %add3A, %add3A_19 : i32
    %mul3A_21 = arith.constant 2500 : i32
    %mul3A_22 = arith.muli %add3A_20, %mul3A_21 : i32
    %jit3A_23 = arith.constant 32 : i32
    %div3A_24 = arith.divsi %mul3A_22, %jit3A_23 : i32
    %sign3A_25 = arith.constant 0 : i32
    %sign3A_26 = arith.cmpi sgt, %mul3A_22, %sign3A_25 : i32
    %sign3A_27 = arith.extui %sign3A_26 : i1 to i32
    %sign3A_28 = arith.constant 0 : i32
    %sign3A_29 = arith.cmpi slt, %mul3A_22, %sign3A_28 : i32
    %sign3A_30 = arith.extui %sign3A_29 : i1 to i32
    %sign3A_31 = arith.subi %sign3A_27, %sign3A_30 : i32
    %sign3A_32 = arith.constant 0 : i32
    %sign3A_33 = arith.cmpi sgt, %jit3A_23, %sign3A_32 : i32
    %sign3A_34 = arith.extui %sign3A_33 : i1 to i32
    %sign3A_35 = arith.constant 0 : i32
    %sign3A_36 = arith.cmpi slt, %jit3A_23, %sign3A_35 : i32
    %sign3A_37 = arith.extui %sign3A_36 : i1 to i32
    %sign3A_38 = arith.subi %sign3A_34, %sign3A_37 : i32
    %ne3A_39 = arith.cmpi ne, %sign3A_31, %sign3A_38 : i32
    %rem3A_40 = arith.remsi %mul3A_22, %jit3A_23 : i32
    %ne3A_41 = arith.constant 0 : i32
    %ne3A_42 = arith.cmpi ne, %rem3A_40, %ne3A_41 : i32
    %and3A_43 = arith.andi %ne3A_39, %ne3A_42 : i1
    %sub3A_44 = arith.constant 1 : i32
    %sub3A_45 = arith.subi %div3A_24, %sub3A_44 : i32
    %select_n3A_46 = arith.select %and3A_43, %sub3A_45, %div3A_24 : i32
    tpu.enqueue_dma source(%arg3 : memref<10240xf32, #tpu.memory_space<hbm>>) target(%arg6 : memref<10240xf32, #tpu.memory_space<vmem>>) target_semaphore(%arg8 : memref<!tpu.dma_semaphore, #tpu.memory_space<semaphore_mem>>)
    %mul3A_47 = arith.constant 128 : i32
    %mul3A_48 = arith.muli %select_n3A, %mul3A_47 : i32
    %dma_start3A = arith.constant 0 : i32
    %dma_start3A_49 = tpu.memref_slice %arg2[%dma_start3A, %mul3A_48] : memref<2x320000xi32, #tpu.memory_space<hbm>> -> memref<2x10112xi32, #tpu.memory_space<hbm>>
    %dma_start3A_50 = arith.constant 0 : i32
    %dma_start3A_51 = tpu.memref_slice %arg2[%dma_start3A_50, %mul3A_48] : memref<2x320000xi32, #tpu.memory_space<hbm>> -> memref<2x10112xi32, #tpu.memory_space<hbm>>
    tpu.enqueue_dma source(%dma_start3A_51 : memref<2x10112xi32, #tpu.memory_space<hbm>>) target(%arg5 : memref<2x10112xi32, #tpu.memory_space<vmem>>) target_semaphore(%arg8 : memref<!tpu.dma_semaphore, #tpu.memory_space<semaphore_mem>>)
    %broadcast_in_dim3A = arith.constant 0.000000e+00 : f32
    %broadcast_in_dim3A_52 = vector.broadcast %broadcast_in_dim3A : f32 to vector<16xf32>
    %parallel_loop3A = arith.constant 0 : i32
    %parallel_loop3A_53 = arith.constant 640 : i32
    %parallel_loop3A_54 = arith.constant 1 : i32
    scf.for %parallel_loop3A_66 = %parallel_loop3A to %parallel_loop3A_53 step %parallel_loop3A_54  : i32 {
      %parallel_loop3A_67 = arith.constant 16 : i32
      %parallel_loop3A_68 = arith.muli %parallel_loop3A_66, %parallel_loop3A_67 : i32
      %parallel_loop3A_69 = arith.index_cast %parallel_loop3A_68 : i32 to index
      %parallel_loop3A_70 = tpu.vector_load %arg7[%parallel_loop3A_69] {strides = array<i32>} : memref<10240xf32, #tpu.memory_space<vmem>>, vector<16xf32>,
      tpu.vector_store %arg7[%parallel_loop3A_69], %broadcast_in_dim3A_52 {strides = array<i32>} : memref<10240xf32, #tpu.memory_space<vmem>>, vector<16xf32>,
    } {sc.loop_unroll_factor = 4 : i64, sc.parallel_access}
    tpu.wait_dma2 semaphore(%arg8 : memref<!tpu.dma_semaphore, #tpu.memory_space<semaphore_mem>>) src(%arg3 : memref<10240xf32, #tpu.memory_space<hbm>>) dst(%arg6 : memref<10240xf32, #tpu.memory_space<vmem>>)
    %dma_wait3A = arith.constant 0 : i32
    %dma_wait3A_55 = tpu.memref_slice %arg2[%dma_wait3A, %mul3A_48] : memref<2x320000xi32, #tpu.memory_space<hbm>> -> memref<2x10112xi32, #tpu.memory_space<hbm>>
    %dma_wait3A_56 = arith.constant 0 : i32
    %dma_wait3A_57 = tpu.memref_slice %arg2[%dma_wait3A_56, %mul3A_48] : memref<2x320000xi32, #tpu.memory_space<hbm>> -> memref<2x10112xi32, #tpu.memory_space<hbm>>
    tpu.wait_dma2 semaphore(%arg8 : memref<!tpu.dma_semaphore, #tpu.memory_space<semaphore_mem>>) src(%dma_wait3A_57 : memref<2x10112xi32, #tpu.memory_space<hbm>>) dst(%arg5 : memref<2x10112xi32, #tpu.memory_space<vmem>>)
    %sub3A_58 = arith.subi %select_n3A_46, %select_n3A : i32
    %mul3A_59 = arith.constant 8 : i32
    %mul3A_60 = arith.muli %sub3A_58, %mul3A_59 : i32
    %parallel_loop3A_61 = arith.constant 0 : i32
    %parallel_loop3A_62 = arith.constant 1 : i32
    scf.for %parallel_loop3A_66 = %parallel_loop3A_61 to %mul3A_60 step %parallel_loop3A_62  : i32 {
      %parallel_loop3A_67 = arith.constant 16 : i32
      %parallel_loop3A_68 = arith.muli %parallel_loop3A_66, %parallel_loop3A_67 : i32
      %parallel_loop3A_69 = arith.constant 0 : i32
      %parallel_loop3A_70 = arith.index_cast %parallel_loop3A_69 : i32 to index
      %parallel_loop3A_71 = arith.index_cast %parallel_loop3A_68 : i32 to index
      %parallel_loop3A_72 = tpu.vector_load %arg5[%parallel_loop3A_70, %parallel_loop3A_71] {strides = array<i32>} : memref<2x10112xi32, #tpu.memory_space<vmem>>, vector<16xi32>,
      %parallel_loop3A_73 = arith.constant 16 : i32
      %parallel_loop3A_74 = arith.muli %parallel_loop3A_66, %parallel_loop3A_73 : i32
      %parallel_loop3A_75 = arith.constant 1 : i32
      %parallel_loop3A_76 = arith.index_cast %parallel_loop3A_75 : i32 to index
      %parallel_loop3A_77 = arith.index_cast %parallel_loop3A_74 : i32 to index
      %parallel_loop3A_78 = tpu.vector_load %arg5[%parallel_loop3A_76, %parallel_loop3A_77] {strides = array<i32>} : memref<2x10112xi32, #tpu.memory_space<vmem>>, vector<16xi32>,
      %parallel_loop3A_79 = tpu.vector_load_idx %arg6[%parallel_loop3A_72] : memref<10240xf32, #tpu.memory_space<vmem>>[vector<16xi32>], vector<16xf32>,
      tpu.vector_store_idx %arg7[%parallel_loop3A_78], %parallel_loop3A_79 {add = true} : memref<10240xf32, #tpu.memory_space<vmem>>[vector<16xi32>], vector<16xf32>,
    } {sc.loop_unroll_factor = 8 : i64, sc.parallel_access}
    %mul3A_63 = arith.constant 2 : i32
    %mul3A_64 = arith.muli %arg1, %mul3A_63 : i32
    %add3A_65 = arith.addi %mul3A_64, %arg0 : i32
    "tpu.region"() ({
      %run_scoped3A = tpu.sem_alloc : memref<!tpu.dma_semaphore, #tpu.memory_space<semaphore_mem>>
      %dma_start3A_66 = arith.constant 0 : i32
      %dma_start3A_67 = tpu.memref_slice %arg4[%add3A_65, %dma_start3A_66] : memref<32x10240xf32, #tpu.memory_space<hbm>> -> memref<1x10240xf32, #tpu.memory_space<hbm>>
      %dma_start3A_68 = tpu.memref_squeeze %dma_start3A_67 : memref<1x10240xf32, #tpu.memory_space<hbm>> -> memref<10240xf32, #tpu.memory_space<hbm>>
      %dma_start3A_69 = arith.constant 0 : i32
      %dma_start3A_70 = tpu.memref_slice %arg4[%add3A_65, %dma_start3A_69] : memref<32x10240xf32, #tpu.memory_space<hbm>> -> memref<1x10240xf32, #tpu.memory_space<hbm>>
      %dma_start3A_71 = tpu.memref_squeeze %dma_start3A_70 : memref<1x10240xf32, #tpu.memory_space<hbm>> -> memref<10240xf32, #tpu.memory_space<hbm>>
      tpu.enqueue_dma source(%arg7 : memref<10240xf32, #tpu.memory_space<vmem>>) target(%dma_start3A_71 : memref<10240xf32, #tpu.memory_space<hbm>>) target_semaphore(%run_scoped3A : memref<!tpu.dma_semaphore, #tpu.memory_space<semaphore_mem>>)
      %dma_wait3A_72 = arith.constant 0 : i32
      %dma_wait3A_73 = tpu.memref_slice %arg4[%add3A_65, %dma_wait3A_72] : memref<32x10240xf32, #tpu.memory_space<hbm>> -> memref<1x10240xf32, #tpu.memory_space<hbm>>
      %dma_wait3A_74 = tpu.memref_squeeze %dma_wait3A_73 : memref<1x10240xf32, #tpu.memory_space<hbm>> -> memref<10240xf32, #tpu.memory_space<hbm>>
      %dma_wait3A_75 = arith.constant 0 : i32
      %dma_wait3A_76 = tpu.memref_slice %arg4[%add3A_65, %dma_wait3A_75] : memref<32x10240xf32, #tpu.memory_space<hbm>> -> memref<1x10240xf32, #tpu.memory_space<hbm>>
      %dma_wait3A_77 = tpu.memref_squeeze %dma_wait3A_76 : memref<1x10240xf32, #tpu.memory_space<hbm>> -> memref<10240xf32, #tpu.memory_space<hbm>>
      tpu.wait_dma2 semaphore(%run_scoped3A : memref<!tpu.dma_semaphore, #tpu.memory_space<semaphore_mem>>) src(%arg7 : memref<10240xf32, #tpu.memory_space<vmem>>) dst(%dma_wait3A_77 : memref<10240xf32, #tpu.memory_space<hbm>>)
      tpu.yield
    }) : () -> ()
    return
  }
}

module attributes {stable_mosaic.version = 14 : i64} {
  func.func @_prep_body(%arg0: memref<10000x128xf32, #tpu.memory_space<vmem>>, %arg1: memref<1x128xf32, #tpu.memory_space<vmem>>, %arg2: memref<32x10240xf32, #tpu.memory_space<vmem>>, %arg3: memref<1x10240xf32, #tpu.memory_space<vmem>>, %arg4: memref<1x10240xf32, #tpu.memory_space<vmem>>) attributes {dimension_semantics = [], scalar_prefetch = 0 : i64, scratch_operands = 0 : i64, tpu.core_type = #tpu.core_type<tc>} {
    %get3A = arith.constant 0 : index
    %get3A_0 = arith.constant 0 : index
    %get3A_1 = vector.load %arg2[%get3A, %get3A_0] : memref<32x10240xf32, #tpu.memory_space<vmem>>, vector<32x10240xf32>
    %reduce_sum3A = arith.constant dense<0.000000e+00> : vector<10240xf32>
    %reduce_sum3A_2 = vector.multi_reduction <add>, %get3A_1, %reduce_sum3A [0] : vector<32x10240xf32> to vector<10240xf32>
    %broadcast_in_dim3A = vector.shape_cast %reduce_sum3A_2 : vector<10240xf32> to vector<1x10240xf32>
    %add3A = arith.constant 1.000000e+00 : f32
    %add3A_3 = vector.broadcast %add3A : f32 to vector<1x10240xf32>
    %add3A_4 = arith.addf %broadcast_in_dim3A, %add3A_3 : vector<1x10240xf32>
    %rsqrt3A = math.rsqrt %add3A_4 : vector<1x10240xf32>
    %get3A_5 = arith.constant 0 : index
    %get3A_6 = arith.constant 0 : index
    %get3A_7 = vector.load %arg1[%get3A_5, %get3A_6] : memref<1x128xf32, #tpu.memory_space<vmem>>, vector<1x128xf32>
    %get3A_8 = arith.constant 0 : index
    %get3A_9 = arith.constant 0 : index
    %get3A_10 = vector.load %arg0[%get3A_8, %get3A_9] : memref<10000x128xf32, #tpu.memory_space<vmem>>, vector<10000x128xf32>
    %dot_general3A = arith.constant dense<0.000000e+00> : vector<1x10000xf32>
    %dot_general3A_11 = tpu.matmul %get3A_7, %get3A_10, %dot_general3A {dimension_numbers = #tpu.dot_dimension_numbers<[1], [1], [0], [0], [0, 0, 1, 0], [], []>, transpose_lhs_hint = false} : vector<1x128xf32>, vector<10000x128xf32>, vector<1x10000xf32> -> vector<1x10000xf32>
    %broadcast_in_dim3A_12 = arith.constant 0.000000e+00 : f32
    %broadcast_in_dim3A_13 = vector.broadcast %broadcast_in_dim3A_12 : f32 to vector<1x10240xf32>
    %swap3A = arith.constant 0 : index
    %swap3A_14 = arith.constant 0 : index
    %swap3A_15 = vector.load %arg3[%swap3A, %swap3A_14] : memref<1x10240xf32, #tpu.memory_space<vmem>>, vector<1x10240xf32>
    tpu.vector_store %arg3[%swap3A, %swap3A_14], %broadcast_in_dim3A_13 {strides = array<i32>} : memref<1x10240xf32, #tpu.memory_space<vmem>>, vector<1x10240xf32>,
    %slice3A = vector.extract_strided_slice %rsqrt3A {offsets = [0, 0], sizes = [1, 10000], strides = [1, 1]} : vector<1x10240xf32> to vector<1x10000xf32>
    %mul3A = arith.mulf %slice3A, %dot_general3A_11 : vector<1x10000xf32>
    %swap3A_16 = arith.constant 0 : index
    %swap3A_17 = arith.constant 0 : index
    %swap3A_18 = vector.load %arg3[%swap3A_16, %swap3A_17] : memref<1x10240xf32, #tpu.memory_space<vmem>>, vector<1x10000xf32>
    tpu.vector_store %arg3[%swap3A_16, %swap3A_17], %mul3A {strides = array<i32>} : memref<1x10240xf32, #tpu.memory_space<vmem>>, vector<1x10000xf32>,
    %swap3A_19 = arith.constant 0 : index
    %swap3A_20 = arith.constant 0 : index
    %swap3A_21 = vector.load %arg4[%swap3A_19, %swap3A_20] : memref<1x10240xf32, #tpu.memory_space<vmem>>, vector<1x10240xf32>
    tpu.vector_store %arg4[%swap3A_19, %swap3A_20], %rsqrt3A {strides = array<i32>} : memref<1x10240xf32, #tpu.memory_space<vmem>>, vector<1x10240xf32>,
    return
  }
}

module attributes {stable_mosaic.version = 14 : i64} {
  func.func @_fin_body(%arg0: memref<32x10240xf32, #tpu.memory_space<vmem>>, %arg1: memref<1x10240xf32, #tpu.memory_space<vmem>>, %arg2: memref<1x10240xf32, #tpu.memory_space<vmem>>, %arg3: memref<1x1xf32, #tpu.memory_space<vmem>>, %arg4: memref<1x10000xf32, #tpu.memory_space<vmem>>) attributes {dimension_semantics = [], scalar_prefetch = 0 : i64, scratch_operands = 0 : i64, tpu.core_type = #tpu.core_type<tc>} {
    %get3A = arith.constant 0 : index
    %get3A_0 = arith.constant 0 : index
    %get3A_1 = vector.load %arg0[%get3A, %get3A_0] : memref<32x10240xf32, #tpu.memory_space<vmem>>, vector<32x10000xf32>
    %reduce_sum3A = arith.constant dense<0.000000e+00> : vector<10000xf32>
    %reduce_sum3A_2 = vector.multi_reduction <add>, %get3A_1, %reduce_sum3A [0] : vector<32x10000xf32> to vector<10000xf32>
    %broadcast_in_dim3A = vector.shape_cast %reduce_sum3A_2 : vector<10000xf32> to vector<1x10000xf32>
    %get3A_3 = arith.constant 0 : index
    %get3A_4 = arith.constant 0 : index
    %get3A_5 = vector.load %arg2[%get3A_3, %get3A_4] : memref<1x10240xf32, #tpu.memory_space<vmem>>, vector<1x10000xf32>
    %get3A_6 = arith.constant 0 : index
    %get3A_7 = arith.constant 0 : index
    %get3A_8 = vector.load %arg1[%get3A_6, %get3A_7] : memref<1x10240xf32, #tpu.memory_space<vmem>>, vector<1x10000xf32>
    %add3A = arith.addf %broadcast_in_dim3A, %get3A_8 : vector<1x10000xf32>
    %mul3A = arith.mulf %get3A_5, %add3A : vector<1x10000xf32>
    %get3A_9 = arith.constant 0 : index
    %get3A_10 = arith.constant 0 : index
    %get3A_11 = vector.load %arg3[%get3A_9, %get3A_10] : memref<1x1xf32, #tpu.memory_space<vmem>>, vector<1x1xf32>
    %get3A_12 = vector.extract %get3A_11[0, 0] : f32 from vector<1x1xf32>
    %add3A_13 = vector.broadcast %get3A_12 : f32 to vector<1x10000xf32>
    %add3A_14 = arith.addf %mul3A, %add3A_13 : vector<1x10000xf32>
    %max3A = arith.constant 0.000000e+00 : f32
    %max3A_15 = vector.broadcast %max3A : f32 to vector<1x10000xf32>
    %max3A_16 = arith.maximumf %add3A_14, %max3A_15 : vector<1x10000xf32>
    %abs3A = math.absf %add3A_14 : vector<1x10000xf32>
    %neg3A = arith.constant 0.000000e+00 : f32
    %neg3A_17 = vector.broadcast %neg3A : f32 to vector<1x10000xf32>
    %neg3A_18 = arith.subf %neg3A_17, %abs3A : vector<1x10000xf32>
    %exp3A = math.exp %neg3A_18 : vector<1x10000xf32>
    %log1p3A = math.log1p %exp3A : vector<1x10000xf32>
    %add3A_19 = arith.addf %max3A_16, %log1p3A : vector<1x10000xf32>
    %swap3A = arith.constant 0 : index
    %swap3A_20 = arith.constant 0 : index
    %swap3A_21 = vector.load %arg4[%swap3A, %swap3A_20] : memref<1x10000xf32, #tpu.memory_space<vmem>>, vector<1x10000xf32>
    tpu.vector_store %arg4[%swap3A, %swap3A_20], %add3A_19 {strides = array<i32>} : memref<1x10000xf32, #tpu.memory_space<vmem>>, vector<1x10000xf32>,
    return
  }
}

</mosaic_0001>

<sc_bundles>
// kernel: kernel.6.cloned.1.call-start
scs
__scs_entry_jumppad:
0x0: {  	(pc) =	sbr.rel $0x88, $3  }
0x1: {  	(tag) =	ssettag $0x0;
	lr =	simm.s32 $0x1  }
0x2: {  	[smem:$0x3F9D] =	sst lr;
	_ =	strace $0xD0000000  }
0x3: {  	_ = 	snop  }
0x4: {  	_ = 	snop  }
0x5: {  	_ = 	snop  }
0x6: {  	_ = 	snop  }
0x7: {  	_ = 	snop  }
__scs_overlays_trampoline_lowered:
0x8: {  	[smem:$0x3FAC] =	sst s0  }
0x9: {  	[smem:$0x3FAD] =	sst s1  }
0xa: {  	[smem:$0x3FAE] =	sst s2  }
0xb: {  	[smem:$0x3FAF] =	sst s3  }
0xc: {  	[smem:$0x3FB0] =	sst s4  }
0xd: {  	[smem:$0x3FB1] =	sst s5  }
0xe: {  	[smem:$0x3FB2] =	sst s6  }
0xf: {  	[smem:$0x3FB3] =	sst s7  }
0x10: {  	[smem:$0x3FB4] =	sst s8  }
0x11: {  	[smem:$0x3FB5] =	sst s9;
	s0 =	simm.s32 @!p0 $0x0  }
0x12: {  	s1 =	sld [smem:$0x3F9B];
	s0 =	simm.s32 @p0 $0x1  }
0x13: {  	[smem:$0x3FB6] =	sst s0;
	s0 =	simm.s32 @!p1 $0x0  }
0x14: {  	s2 =	sld [smem:$0x3F9A];
	s0 =	simm.s32 @p1 $0x1  }
0x15: {  	[smem:$0x3FB7] =	sst s0;
	s0 =	simm.s32 @!p2 $0x0  }
0x16: {  	s3 =	sld [smem:$0x3FDB];
	s0 =	simm.s32 @p2 $0x1  }
0x17: {  	s4 =	simm.s32 $0x1BF5;
	[smem:$0x3FB9] =	sst s0  }
0x18: {  	s0 =	sld [smem:$0x3F9C];
	_ =	swait.ge [sflag:s4], $0x0  }
0x19: {  	s7 =	sld [smem:$0x3F9D]  }
0x1a: {  	s8 =	sadd.s32 $0xFFFFE003, lr  }
0x1b: {  	s9 =	sadd.s32 $0xFFFFFEF7, lr;
	s5 =	simm.s32 $0xFFFFFFFF;
	p2 =	slt.u32 s8, $0xFFFFF086  }
0x1c: {  	p1 =	slt.u32 s9, $0xF7A;
	s5 =	simm.s32 @!p2 $0x0  }
0x1d: {  	s5 =	simm.s32 @p1 $0x1;
	p0 =	seq.s32 s7, s2  }
0x1e: {  	s7 =	smul.u32 @!p0 $0xF7A, s2;
	p2 =	seq.s32 @!p0 s5, $0x0  }
0x1f: {  	s9 =	smul.u32 $0xF7A, s1;
	s8 =	simm.s32 @!p0 $0x1BF5;
	p2 =	por !p2, p0  }
0x20: {  	[sflag:s8] =	ssyncset.s32 @!p0 $0xFFFFF086;
	s6 =	sadd.s32 @!p0 s3, s7;
	s7 =	simm.s32 @!p0 $0x108  }
0x21: {  	s3 =	sadd.s32 s3, s9;
	s6 =	sadd.s32 @!p0 $0x88, s6;
	s7 =	simm.s32 @p2 $0x1082  }
0x22: {  	[simem:s7], [sflag:s8] =	dma.local @!p0 [hbm:s6], $0xF7A  }
0x23: {  	s9 =	sor.u32 $0xD0000000, s2;
	s6 =	simm.s32 $0x108;
	_ =	swait.ge @!p0 [sflag:s8], $0x0  }
0x24: {  	s3 =	sadd.s32 $0x88, s3;
	s6 =	simm.s32 @!p1 $0x1082;
	[sflag:s4] =	ssyncset.s32 $0xFFFFF086  }
0x25: {  	[simem:s6], [sflag:s4] =	dma.local [hbm:s3], $0xF7A  }
0x26: {  	[smem:$0x3F9D] =	sst s1;
	(tag) =	ssettag s2;
	_ =	strace s9  }
0x27: {  	s1 =	sld [smem:$0x3FAD]  }
0x28: {  	s2 =	sld [smem:$0x3FAE]  }
0x29: {  	s4 =	sld [smem:$0x3FB0]  }
0x2a: {  	p0 =	seq.s32 s5, $0x0;
	s5 =	sld [smem:$0x3FB1]  }
0x2b: {  	s6 =	sld [smem:$0x3FB2]  }
0x2c: {  	s7 =	sld [smem:$0x3FB3]  }
0x2d: {  	s3 =	simm.s32 $0x108;
	s8 =	sld [smem:$0x3FB4]  }
0x2e: {  	s3 =	simm.s32 @!p0 $0x1082;
	s9 =	sld [smem:$0x3FB5]  }
0x2f: {  	lr =	sadd.s32 s0, s3;
	s0 =	sld [smem:$0x3FAC]  }
0x30: {  	s3 =	sld [smem:$0x3FAF]  }
0x31: {  	[smem:$0x3FB8] =	sst s10  }
0x32: {  	s10 =	sld [smem:$0x3FB6];
	_ =	sdelay $0x3  }
0x33: {  	p0 =	seq.s32 s10, $0x1;
	s10 =	sld [smem:$0x3FB8];
	_ =	sdelay $0x3  }
0x34: {  	[smem:$0x3FB8] =	sst s10  }
0x35: {  	s10 =	sld [smem:$0x3FB7];
	_ =	sdelay $0x3  }
0x36: {  	p1 =	seq.s32 s10, $0x1;
	s10 =	sld [smem:$0x3FB8];
	_ =	sdelay $0x3  }
0x37: {  	[smem:$0x3FB8] =	sst s10  }
0x38: {  	s10 =	sld [smem:$0x3FB9]  }
0x39: {  	_ = 	snop;
	(pc) =	sbr.ind lr, $3  }
0x3a: {  	_ = 	snop  }
0x3b: {  	_ = 	snop  }
0x3c: {  	p2 =	seq.s32 s10, $0x1;
	s10 =	sld [smem:$0x3FB8]  }
0x3d: {  	_ =	shalt  }
0x3e: {  	_ =	shalt  }
0x3f: {  	_ =	shalt  }
0x40: {  	_ =	shalt  }
0x41: {  	_ =	shalt  }
0x42: {  	_ =	shalt  }
0x43: {  	_ =	shalt  }
0x44: {  	_ =	shalt  }
0x45: {  	_ =	shalt  }
0x46: {  	_ =	shalt  }
0x47: {  	_ =	shalt  }
0x48: {  	_ =	shalt  }
0x49: {  	_ =	shalt  }
0x4a: {  	_ =	shalt  }
0x4b: {  	_ =	shalt  }
0x4c: {  	_ =	shalt  }
0x4d: {  	_ =	shalt  }
0x4e: {  	_ =	shalt  }
0x4f: {  	_ =	shalt  }
0x50: {  	_ =	shalt  }
0x51: {  	_ =	shalt  }
0x52: {  	_ =	shalt  }
0x53: {  	_ =	shalt  }
0x54: {  	_ =	shalt  }
0x55: {  	_ =	shalt  }
0x56: {  	_ =	shalt  }
0x57: {  	_ =	shalt  }
0x58: {  	_ =	shalt  }
0x59: {  	_ =	shalt  }
0x5a: {  	_ =	shalt  }
0x5b: {  	_ =	shalt  }
0x5c: {  	_ =	shalt  }
0x5d: {  	_ =	shalt  }
0x5e: {  	_ =	shalt  }
0x5f: {  	_ =	shalt  }
0x60: {  	_ =	shalt  }
0x61: {  	_ =	shalt  }
0x62: {  	_ =	shalt  }
0x63: {  	_ =	shalt  }
0x64: {  	_ =	shalt  }
0x65: {  	_ =	shalt  }
0x66: {  	_ =	shalt  }
0x67: {  	_ =	shalt  }
0x68: {  	_ =	shalt  }
0x69: {  	_ =	shalt  }
0x6a: {  	_ =	shalt  }
0x6b: {  	_ =	shalt  }
0x6c: {  	_ =	shalt  }
0x6d: {  	_ =	shalt  }
0x6e: {  	_ =	shalt  }
0x6f: {  	_ =	shalt  }
0x70: {  	_ =	shalt  }
0x71: {  	_ =	shalt  }
0x72: {  	_ =	shalt  }
0x73: {  	_ =	shalt  }
0x74: {  	_ =	shalt  }
0x75: {  	_ =	shalt  }
0x76: {  	_ =	shalt  }
0x77: {  	_ =	shalt  }
0x78: {  	_ =	shalt  }
0x79: {  	_ =	shalt  }
0x7a: {  	_ =	shalt  }
0x7b: {  	_ =	shalt  }
0x7c: {  	_ =	shalt  }
0x7d: {  	_ =	shalt  }
0x7e: {  	_ =	shalt  }
0x7f: {  	_ =	shalt  }
0x80: {  	_ =	shalt  }
0x81: {  	_ =	shalt  }
0x82: {  	_ =	shalt  }
0x83: {  	_ =	shalt  }
0x84: {  	_ =	shalt  }
0x85: {  	_ =	shalt  }
0x86: {  	_ =	shalt  }
0x87: {  	_ =	shalt  }
.Lfunc_end0:
.L_simem_size_0:
called_computation_lowered:
.L_overlay_start_0:
0x88: {  	s2 =	sld [smem:$0x3FD9]  }
0x89: {  	s3 =	sld [smem:$0x3FFE];
	_ =	sdelay $0x1  }
0x8a: {  	s1 =	srdreg.scid  }
0x8b: {  	s0 =	sand.u32 $0x1, s1  }
0x8c: {  	s17 =	sshll.u32 s0, $0xA;
	s2 =	sadd.s32 s3, s2  }
0x8d: {  	s2 =	sadd.s32 s2, s17  }
0x8e: {  	[smem:$0x3FC4] =	sst s2  }
0x8f: {  	_ = 	snop  }
0x90: {  	s2 =	sld [smem:$0x3FC8];
	(tm) =	ssettm $0x1  }
0x91: {  	s18 =	sld [smem:$0x3FFB];
	_ =	sdelay $0x3  }
0x92: {  	_ =	strace s18  }
0x93: {  	s3 =	sld [smem:$0x3FFC];
	_ =	sdelay $0x3  }
0x94: {  	_ =	strace s3  }
0x95: {  	s3 =	sld [smem:$0x3FFD];
	_ =	sdelay $0x3  }
0x96: {  	_ =	strace s3  }
0x97: {  	_ =	strace $0x8FFFFFFF  }
0x98: {  	s19 =	sld [smem:$0x3FDB];
	_ =	sdelay $0x1  }
0x99: {  	s4 =	simm.s32 $_scs_section_size  }
0x9a: {  	s5 =	simm.s32 $_size__tile_overlayer_lowered;
	s6 =	simm.s32 $_tile_overlayer_lowered  }
0x9b: {  	s22 =	simm.s32 $0x1BFF;
	s21 =	sshll.u32 s6, $0x1;
	s3 =	sadd.s32 s4, s19  }
0x9c: {  	s7 =	simm.s32 $0x0;
	s20 =	sshll.u32 s5, $0x1;
	s5 =	sadd.s32 s21, s3  }
0x9d: {  	[timem:s7], [sflag:s22] =	dma.local [hbm:s5], s20  }
0x9e: {  	_ =	swait.ge [sflag:s22], s20  }
0x9f: {  	s4 =	ssub.s32 $0x0, s20;
	[sflag:s22] =	ssyncset.done $0x0  }
0xa0: {  	[sflag:s22] =	ssyncadd.s32 s4;
	_ =	sdelay $0x1  }
0xa1: {  	s23 =	simm.s32 $0x1B8B  }
0xa2: {  	_ =	swait.ge [sflag:s23], $0x1  }
0xa3: {  	[sflag:s23] =	ssyncset.done $0x0  }
0xa4: {  	s25 =	simm.s32 $0x1B8E;
	s24 =	sld [smem:$0x3FFE];
	[sflag:s23] =	ssyncadd.s32 $0xFFFFFFFF  }
0xa5: {  	s26 =	simm.s32 $execute0_lowered;
	[smem:$0x3FD2] =	sst s25  }
0xa6: {  	s5 =	sshll.u32 s26, $0x1;
	_ =	strace $0x80000046;
	[dreg:$0x1] =	wrdreg $0xFFFFFFFF  }
0xa7: {  	s28 =	simm.s32 $_size_execute0_lowered;
	s3 =	sadd.s32 s3, s5;
	[dreg:$0x0] =	wrdreg $0x0  }
0xa8: {  	s5 =	sshll.u32 s28, $0x1;
	[dreg:$0x2] =	wrdreg s3  }
0xa9: {  	[dreg:$0x3] =	wrdreg s5  }
0xaa: {  	[dreg:$0x4] =	wrdreg $0xC0  }
0xab: {  	_ =	task [dreg:s7], $0x5FFFF  }
0xac: {  	[dreg:$0x1] =	wrdreg $0xFFFFFFFF  }
0xad: {  	[dreg:$0x0] =	wrdreg $0x60  }
0xae: {  	[dreg:$0x2] =	wrdreg s2  }
0xaf: {  	[dreg:$0x3] =	wrdreg s24  }
0xb0: {  	[dreg:$0x4] =	wrdreg $0x9  }
0xb1: {  	_ =	task.clear_ibuf [dreg:s7], $0x5FFFF;
	_ =	strace $0x90000046  }
0xb2: {  	s29 =	simm.s32 $0x9;
	_ =	strace $0x80000048  }
0xb3: {  	_ =	swait.ge [sflag:s29], $0x1  }
0xb4: {  	[sflag:s29] =	ssyncadd.s32 $0xFFFFFFFF  }
0xb5: {  	_ =	strace $0x90000048  }
0xb6: {  	_ =	sfence  }
0xb7: {  	s30 =	sld [smem:$0x0];
	_ =	sdelay $0x2  }
0xb8: {  	s31 =	sshll.u32 s1, $0xD;
	s1 =	sshrl.u32 s1, $0x2  }
0xb9: {  	s3 =	sand.u32 $0x4000, s31;
	s1 =	sadd.s32 s1, s30  }
0xba: {  	s0 =	sor.u32 s3, s0;
	s1 =	sshll.u32 s1, $0x11  }
0xbb: {  	s0 =	sor.u32 s1, s0  }
0xbc: {  	s0 =	sadd.s32 $0x8F2B, s0  }
0xbd: {  	[sflag:s0] =	ssyncadd.remote.s32 $0x1  }
0xbe: {  	_ =	sfence.sel $0xFFFF  }
0xbf: {  	[dreg:$0x0] =	wrdreg $0xFFFFFFFF;
	(pc) =	sbr.abs _section_cstart, $3  }
0xc0: {  	[dreg:$0x1] =	wrdreg $0xFFFFFFFF  }
0xc1: {  	_ =	task.clear_ibuf [dreg:s7], $0x2FFFF;
	_ =	strace $0x9FFFFFFF  }
0xc2: {  	(tm) =	ssettm $0x7FFFFFFF  }
0xc3: {  	_ =	shalt  }
tec
execute0_lowered:
.L_overlay_start_1:
0x0: {  	(tag) =	ssettag $0x1  }
0x1: {  	s1 =	srdreg.scid  }
0x2: {  	s0 =	stileid.u32;
	s4 =	rddreg [dreg:$0x0]  }
0x3: {  	s6 =	rddreg [dreg:$0x1];
	s10 =	simm.s32 $0x400;
	s11 =	simm.s32 $0x2  }
0x4: {  	s12 =	simm.s32 $0x0;
	s3 =	sand.u32 $0x1, s1;
	s26 =	sshll.u32 s0, $0x1  }
0x5: {  	s28 =	sshrl.u32 s0, $0x2;
	s1 =	rddreg [dreg:$0x2];
	s5 =	sor.u32 s3, s26  }
0x6: {  	s7 =	smul.u32 $0x14000, s28;
	s3 =	ssub.s32 $0x2, s3;
	s2 =	sshll.u32 s5, $0x7  }
0x7: {  	s5 =	smul.u32 $0x9C4, s5;
	s9 =	sshrl.u32 s3, $0x1;
	s8 =	sand.u32 $0x380, s2  }
0x8: {  	s2 =	simm.s32 $0x0;
	s31 =	ssub.s32 s3, s9;
	s9 =	simm.s32 $0x80  }
0x9: {  	s7 =	sor.u32 s7, s8;
	[smem:$0x7FF] =	sst s2;
	s29 =	sadd.s32 $0x9C4, s5  }
.Ltmp0:
0xa: {  	s30 =	sshrl.u32 s5, $0x5;
	s5 =	sand.u32 $0x1FFE0, s5;
	(pc) =	sbr.rel .LBB2_1-.Ltmp0, $4  }
0xb: {  	s8 =	simm.s32 $0x4F00;
	s7 =	sshrl.u32 s7, $0x3;
	_ =	strace $0x80000047  }
0xc: {  	s3 =	sadd.s32 s4, s5;
	s6 =	sadd.s32 s7, s6;
	s7 =	sshrl.u32 s29, $0x5  }
0xd: {  	s7 =	ssub.s32 s7, s30;
	s5 =	sadd.s32 $0x1C00, s6;
	s6 =	smax.u32 s31, $0x1  }
0xe: {  	v0 =	vimm.f32 $0.0e+00;
	v1 =	vimm.f32 $1.000000000e+00;
	s4 =	sshll.u32 s7, $0x3;
	p0 =	slt.s32 s7, $0x1;
	s7 =	simm.s32 $0x1  }
.LBB2_6:
0xf: {  	_ =	sdelay $0x3  }
0x10: {  	[tilespmem:v2+s8+$0x0] =	vst.idx.add.f32.msk $0xffff, v1  }
.LBB2_7:
0x11: {  	s12 =	sadd.s32 $0x1, s12  }
0x12: {  	p1 =	seq.s32 s12, s6  }
.Ltmp1:
0x13: {  	_ = 	snop;
	(pc) =	sbr.rel @p1 .LBB2_8-.Ltmp1, $4  }
0x14: {  	[hbm4b:s5+s9] =	stream.strided.scatter [tilespmem:s8], [sflag:$0x2], $0x2800, s10, s9, $0x38;
	[tilespmem:$0x7700] =	vst v63  }
0x15: {  	_ =	swait.ge [sflag:s11], $0x2800  }
0x16: {  	[sflag:s11] =	ssyncset.done $0x0  }
0x17: {  	[sflag:s11] =	ssyncadd.s32 $0xFFFFD800  }
.LBB2_1:
0x18: {  	[tilespmem:s2], [sflag:$0x1] =	stream.linear.gather [hbm4b:s3+s2], $0x4F00, $0x38;
	[tilespmem:$0x7700] =	vst v63  }
0x19: {  	s13 =	simm.s32 $0x4F20  }
0x1a: {  	[tilespmem:s13+$0xFFFFFFE0] =	vst v0  }
0x1b: {  	[tilespmem:s13+$0x10] =	vst v0  }
0x1c: {  	s14 =	simm.s32 $0x0;
	[tilespmem:s13+$0x0] =	vst v0  }
.LBB2_2:
0x1d: {  	s14 =	sadd.s32 $0x4, s14  }
0x1e: {  	[tilespmem:s13+$0xFFFFFFF0] =	vst v0;
	s13 =	sadd.s32 $0x40, s13;
	p1 =	slt.u32 s14, $0x27C  }
.Ltmp2:
0x1f: {  	[tilespmem:s13+$0xFFFFFFE0] =	vst v0;
	(pc) =	sbr.rel @p1 .LBB2_2-.Ltmp2, $3  }
0x20: {  	_ =	sdelay $0x1  }
0x21: {  	[tilespmem:s13+$0x10] =	vst v0  }
0x22: {  	[tilespmem:s13+$0x0] =	vst v0  }
.Ltmp3:
0x23: {  	(pc) =	sbr.rel @p0 .LBB2_7-.Ltmp3, $4  }
0x24: {  	[tilespmem:s13+$0xFFFFFFF0] =	vst v0  }
0x25: {  	_ =	swait.ge [sflag:s7], $0x4F00  }
0x26: {  	[sflag:s7] =	ssyncset.done $0x0  }
0x27: {  	[sflag:s7] =	ssyncadd.s32 $0xFFFFB100  }
0x28: {  	s13 =	simm.s32 $0xF0  }
0x29: {  	v3 =	vld [tilespmem:s13+$0xFFFFFF90]  }
0x2a: {  	v4 =	vld [tilespmem:s13+$0x0]  }
0x2b: {  	v5 =	vld [tilespmem:s13+$0xFFFFFFF0]  }
0x2c: {  	v6 =	vld [tilespmem:s13+$0xFFFFFFE0]  }
0x2d: {  	v7 =	vld [tilespmem:s13+$0xFFFFFFD0]  }
0x2e: {  	v8 =	vld [tilespmem:s13+$0xFFFFFFC0]  }
0x2f: {  	v9 =	vld [tilespmem:s13+$0xFFFFFFB0]  }
0x30: {  	v2 =	vld [tilespmem:s13+$0xFFFFFFA0]  }
0x31: {  	[tilespmem:v3+s8+$0x0] =	vst.idx.add.f32.msk $0xffff, v1  }
0x32: {  	p1 =	sgt.s32 s4, $0x8;
	[tilespmem:v4+s8+$0x0] =	vst.idx.add.f32.msk $0xffff, v1  }
.Ltmp4:
0x33: {  	[tilespmem:v5+s8+$0x0] =	vst.idx.add.f32.msk $0xffff, v1;
	(pc) =	sbr.rel @!p1 .LBB2_6-.Ltmp4, $4  }
0x34: {  	[tilespmem:v6+s8+$0x0] =	vst.idx.add.f32.msk $0xffff, v1  }
0x35: {  	[tilespmem:v7+s8+$0x0] =	vst.idx.add.f32.msk $0xffff, v1  }
0x36: {  	[tilespmem:v8+s8+$0x0] =	vst.idx.add.f32.msk $0xffff, v1  }
0x37: {  	s14 =	simm.s32 $0x8;
	[tilespmem:v9+s8+$0x0] =	vst.idx.add.f32.msk $0xffff, v1  }
.LBB2_5:
0x38: {  	s14 =	sadd.s32 $0x8, s14;
	[tilespmem:v2+s8+$0x0] =	vst.idx.add.f32.msk $0xffff, v1;
	s13 =	sadd.s32 $0x100, s13  }
0x39: {  	v3 =	vld [tilespmem:s13+$0xFFFFFF90];
	p1 =	slt.s32 s14, s4  }
0x3a: {  	v4 =	vld [tilespmem:s13+$0x0]  }
0x3b: {  	v5 =	vld [tilespmem:s13+$0xFFFFFFF0]  }
0x3c: {  	v6 =	vld [tilespmem:s13+$0xFFFFFFE0]  }
0x3d: {  	v7 =	vld [tilespmem:s13+$0xFFFFFFD0]  }
0x3e: {  	v8 =	vld [tilespmem:s13+$0xFFFFFFC0]  }
0x3f: {  	v9 =	vld [tilespmem:s13+$0xFFFFFFB0]  }
0x40: {  	v2 =	vld [tilespmem:s13+$0xFFFFFFA0]  }
0x41: {  	[tilespmem:v3+s8+$0x0] =	vst.idx.add.f32.msk $0xffff, v1  }
0x42: {  	[tilespmem:v4+s8+$0x0] =	vst.idx.add.f32.msk $0xffff, v1  }
.Ltmp5:
0x43: {  	[tilespmem:v5+s8+$0x0] =	vst.idx.add.f32.msk $0xffff, v1;
	(pc) =	sbr.rel @p1 .LBB2_5-.Ltmp5, $4  }
0x44: {  	[tilespmem:v6+s8+$0x0] =	vst.idx.add.f32.msk $0xffff, v1  }
0x45: {  	[tilespmem:v7+s8+$0x0] =	vst.idx.add.f32.msk $0xffff, v1  }
0x46: {  	[tilespmem:v8+s8+$0x0] =	vst.idx.add.f32.msk $0xffff, v1  }
0x47: {  	[tilespmem:v9+s8+$0x0] =	vst.idx.add.f32.msk $0xffff, v1  }
.Ltmp6:
0x48: {  	_ = 	snop;
	(pc) =	sbr.rel .LBB2_6-.Ltmp6, $1  }
0x49: {  	_ =	sdelay $0x3  }
.LBB2_8:
0x4a: {  	_ =	sfence.sel $0x180000  }
0x4b: {  	[bflag:$0x0] =	sbarrier.arrive $0xFFFF  }
0x4c: {  	p0 =	sne.s32 s0, $0x0;
	_ =	strace $0x90000047  }
0x4d: {  	s0 =	sadd.s32 @!p0 $0x100000, s1;
	[bflag:$0x2] =	sbarrier.arrive $0xFFFF  }
0x4e: {  	[sflag:s0] =	ssyncadd.tile.s32 @!p0 $0x1;
	_ =	shalt  }
.Lfunc_end2:
_tile_overlayer_lowered:
.L_overlay_start_2:
0x4f: {  	(tag) =	ssettag $0x2  }
0x50: {  	s0 =	rddreg [dreg:$0x0];
	s2 =	stileid.u32  }
0x51: {  	s1 =	rddreg [dreg:$0x1];
	p0 =	sne.s32 s2, $0x0  }
0x52: {  	s3 =	rddreg [dreg:$0x2];
	[bflag:$0x3] =	sbarrier.arrive $0xFFFF;
	s2 =	simm.s32 @!p0 $0x1C02  }
0x53: {  	[timem:s3], [sflag:s2] =	dma.local @!p0 [hbm:s0], s1  }
0x54: {  	s0 =	simm.s32 @!p0 $0x2  }
0x55: {  	_ =	swait.ge @!p0 [sflag:s0], s1  }
0x56: {  	s1 =	ssub.s32 @!p0 $0x0, s1;
	[sflag:s0] =	ssyncset.done @!p0 $0x0  }
0x57: {  	[sflag:s0] =	ssyncadd.s32 @!p0 s1  }
0x58: {  	[bflag:$0x3] =	sbarrier.arrive $0xFFFF  }
0x59: {  	_ =	shalt  }

// kernel: kernel.9.cloned.1.call-start
scs
__scs_entry_jumppad:
0x0: {  	(pc) =	sbr.rel $0x88, $3  }
0x1: {  	(tag) =	ssettag $0x0;
	lr =	simm.s32 $0x1  }
0x2: {  	[smem:$0x3F9D] =	sst lr;
	_ =	strace $0xD0000000  }
0x3: {  	_ = 	snop  }
0x4: {  	_ = 	snop  }
0x5: {  	_ = 	snop  }
0x6: {  	_ = 	snop  }
0x7: {  	_ = 	snop  }
__scs_overlays_trampoline_lowered:
0x8: {  	[smem:$0x3FAC] =	sst s0  }
0x9: {  	[smem:$0x3FAD] =	sst s1  }
0xa: {  	[smem:$0x3FAE] =	sst s2  }
0xb: {  	[smem:$0x3FAF] =	sst s3  }
0xc: {  	[smem:$0x3FB0] =	sst s4  }
0xd: {  	[smem:$0x3FB1] =	sst s5  }
0xe: {  	[smem:$0x3FB2] =	sst s6  }
0xf: {  	[smem:$0x3FB3] =	sst s7  }
0x10: {  	[smem:$0x3FB4] =	sst s8  }
0x11: {  	[smem:$0x3FB5] =	sst s9;
	s0 =	simm.s32 @!p0 $0x0  }
0x12: {  	s1 =	sld [smem:$0x3F9B];
	s0 =	simm.s32 @p0 $0x1  }
0x13: {  	[smem:$0x3FB6] =	sst s0;
	s0 =	simm.s32 @!p1 $0x0  }
0x14: {  	s2 =	sld [smem:$0x3F9A];
	s0 =	simm.s32 @p1 $0x1  }
0x15: {  	[smem:$0x3FB7] =	sst s0;
	s0 =	simm.s32 @!p2 $0x0  }
0x16: {  	s3 =	sld [smem:$0x3FDB];
	s0 =	simm.s32 @p2 $0x1  }
0x17: {  	s4 =	simm.s32 $0x1BF5;
	[smem:$0x3FB9] =	sst s0  }
0x18: {  	s0 =	sld [smem:$0x3F9C];
	_ =	swait.ge [sflag:s4], $0x0  }
0x19: {  	s7 =	sld [smem:$0x3F9D]  }
0x1a: {  	s8 =	sadd.s32 $0xFFFFE003, lr  }
0x1b: {  	s9 =	sadd.s32 $0xFFFFFEF7, lr;
	s5 =	simm.s32 $0xFFFFFFFF;
	p2 =	slt.u32 s8, $0xFFFFF086  }
0x1c: {  	p1 =	slt.u32 s9, $0xF7A;
	s5 =	simm.s32 @!p2 $0x0  }
0x1d: {  	s5 =	simm.s32 @p1 $0x1;
	p0 =	seq.s32 s7, s2  }
0x1e: {  	s7 =	smul.u32 @!p0 $0xF7A, s2;
	p2 =	seq.s32 @!p0 s5, $0x0  }
0x1f: {  	s9 =	smul.u32 $0xF7A, s1;
	s8 =	simm.s32 @!p0 $0x1BF5;
	p2 =	por !p2, p0  }
0x20: {  	[sflag:s8] =	ssyncset.s32 @!p0 $0xFFFFF086;
	s6 =	sadd.s32 @!p0 s3, s7;
	s7 =	simm.s32 @!p0 $0x108  }
0x21: {  	s3 =	sadd.s32 s3, s9;
	s6 =	sadd.s32 @!p0 $0x88, s6;
	s7 =	simm.s32 @p2 $0x1082  }
0x22: {  	[simem:s7], [sflag:s8] =	dma.local @!p0 [hbm:s6], $0xF7A  }
0x23: {  	s9 =	sor.u32 $0xD0000000, s2;
	s6 =	simm.s32 $0x108;
	_ =	swait.ge @!p0 [sflag:s8], $0x0  }
0x24: {  	s3 =	sadd.s32 $0x88, s3;
	s6 =	simm.s32 @!p1 $0x1082;
	[sflag:s4] =	ssyncset.s32 $0xFFFFF086  }
0x25: {  	[simem:s6], [sflag:s4] =	dma.local [hbm:s3], $0xF7A  }
0x26: {  	[smem:$0x3F9D] =	sst s1;
	(tag) =	ssettag s2;
	_ =	strace s9  }
0x27: {  	s1 =	sld [smem:$0x3FAD]  }
0x28: {  	s2 =	sld [smem:$0x3FAE]  }
0x29: {  	s4 =	sld [smem:$0x3FB0]  }
0x2a: {  	p0 =	seq.s32 s5, $0x0;
	s5 =	sld [smem:$0x3FB1]  }
0x2b: {  	s6 =	sld [smem:$0x3FB2]  }
0x2c: {  	s7 =	sld [smem:$0x3FB3]  }
0x2d: {  	s3 =	simm.s32 $0x108;
	s8 =	sld [smem:$0x3FB4]  }
0x2e: {  	s3 =	simm.s32 @!p0 $0x1082;
	s9 =	sld [smem:$0x3FB5]  }
0x2f: {  	lr =	sadd.s32 s0, s3;
	s0 =	sld [smem:$0x3FAC]  }
0x30: {  	s3 =	sld [smem:$0x3FAF]  }
0x31: {  	[smem:$0x3FB8] =	sst s10  }
0x32: {  	s10 =	sld [smem:$0x3FB6];
	_ =	sdelay $0x3  }
0x33: {  	p0 =	seq.s32 s10, $0x1;
	s10 =	sld [smem:$0x3FB8];
	_ =	sdelay $0x3  }
0x34: {  	[smem:$0x3FB8] =	sst s10  }
0x35: {  	s10 =	sld [smem:$0x3FB7];
	_ =	sdelay $0x3  }
0x36: {  	p1 =	seq.s32 s10, $0x1;
	s10 =	sld [smem:$0x3FB8];
	_ =	sdelay $0x3  }
0x37: {  	[smem:$0x3FB8] =	sst s10  }
0x38: {  	s10 =	sld [smem:$0x3FB9]  }
0x39: {  	_ = 	snop;
	(pc) =	sbr.ind lr, $3  }
0x3a: {  	_ = 	snop  }
0x3b: {  	_ = 	snop  }
0x3c: {  	p2 =	seq.s32 s10, $0x1;
	s10 =	sld [smem:$0x3FB8]  }
0x3d: {  	_ =	shalt  }
0x3e: {  	_ =	shalt  }
0x3f: {  	_ =	shalt  }
0x40: {  	_ =	shalt  }
0x41: {  	_ =	shalt  }
0x42: {  	_ =	shalt  }
0x43: {  	_ =	shalt  }
0x44: {  	_ =	shalt  }
0x45: {  	_ =	shalt  }
0x46: {  	_ =	shalt  }
0x47: {  	_ =	shalt  }
0x48: {  	_ =	shalt  }
0x49: {  	_ =	shalt  }
0x4a: {  	_ =	shalt  }
0x4b: {  	_ =	shalt  }
0x4c: {  	_ =	shalt  }
0x4d: {  	_ =	shalt  }
0x4e: {  	_ =	shalt  }
0x4f: {  	_ =	shalt  }
0x50: {  	_ =	shalt  }
0x51: {  	_ =	shalt  }
0x52: {  	_ =	shalt  }
0x53: {  	_ =	shalt  }
0x54: {  	_ =	shalt  }
0x55: {  	_ =	shalt  }
0x56: {  	_ =	shalt  }
0x57: {  	_ =	shalt  }
0x58: {  	_ =	shalt  }
0x59: {  	_ =	shalt  }
0x5a: {  	_ =	shalt  }
0x5b: {  	_ =	shalt  }
0x5c: {  	_ =	shalt  }
0x5d: {  	_ =	shalt  }
0x5e: {  	_ =	shalt  }
0x5f: {  	_ =	shalt  }
0x60: {  	_ =	shalt  }
0x61: {  	_ =	shalt  }
0x62: {  	_ =	shalt  }
0x63: {  	_ =	shalt  }
0x64: {  	_ =	shalt  }
0x65: {  	_ =	shalt  }
0x66: {  	_ =	shalt  }
0x67: {  	_ =	shalt  }
0x68: {  	_ =	shalt  }
0x69: {  	_ =	shalt  }
0x6a: {  	_ =	shalt  }
0x6b: {  	_ =	shalt  }
0x6c: {  	_ =	shalt  }
0x6d: {  	_ =	shalt  }
0x6e: {  	_ =	shalt  }
0x6f: {  	_ =	shalt  }
0x70: {  	_ =	shalt  }
0x71: {  	_ =	shalt  }
0x72: {  	_ =	shalt  }
0x73: {  	_ =	shalt  }
0x74: {  	_ =	shalt  }
0x75: {  	_ =	shalt  }
0x76: {  	_ =	shalt  }
0x77: {  	_ =	shalt  }
0x78: {  	_ =	shalt  }
0x79: {  	_ =	shalt  }
0x7a: {  	_ =	shalt  }
0x7b: {  	_ =	shalt  }
0x7c: {  	_ =	shalt  }
0x7d: {  	_ =	shalt  }
0x7e: {  	_ =	shalt  }
0x7f: {  	_ =	shalt  }
0x80: {  	_ =	shalt  }
0x81: {  	_ =	shalt  }
0x82: {  	_ =	shalt  }
0x83: {  	_ =	shalt  }
0x84: {  	_ =	shalt  }
0x85: {  	_ =	shalt  }
0x86: {  	_ =	shalt  }
0x87: {  	_ =	shalt  }
.Lfunc_end0:
.L_simem_size_0:
called_computation.1_lowered:
.L_overlay_start_0:
0x88: {  	s2 =	sld [smem:$0x3FD9]  }
0x89: {  	s3 =	sld [smem:$0x3FFE];
	_ =	sdelay $0x1  }
0x8a: {  	s1 =	srdreg.scid  }
0x8b: {  	s0 =	sand.u32 $0x1, s1  }
0x8c: {  	s17 =	sshll.u32 s0, $0xA;
	s2 =	sadd.s32 s3, s2  }
0x8d: {  	s2 =	sadd.s32 s2, s17  }
0x8e: {  	[smem:$0x3FC4] =	sst s2  }
0x8f: {  	_ = 	snop  }
0x90: {  	s2 =	sld [smem:$0x3FC8];
	(tm) =	ssettm $0x1  }
0x91: {  	s18 =	sld [smem:$0x3FFB];
	_ =	sdelay $0x3  }
0x92: {  	_ =	strace s18  }
0x93: {  	s3 =	sld [smem:$0x3FFC];
	_ =	sdelay $0x3  }
0x94: {  	_ =	strace s3  }
0x95: {  	s3 =	sld [smem:$0x3FFD];
	_ =	sdelay $0x3  }
0x96: {  	_ =	strace s3  }
0x97: {  	_ =	strace $0x8FFFFFFF  }
0x98: {  	s19 =	sld [smem:$0x3FDB];
	_ =	sdelay $0x1  }
0x99: {  	s4 =	simm.s32 $_scs_section_size  }
0x9a: {  	s5 =	simm.s32 $_size__tile_overlayer_lowered;
	s6 =	simm.s32 $_tile_overlayer_lowered  }
0x9b: {  	s22 =	simm.s32 $0x1BFF;
	s21 =	sshll.u32 s6, $0x1;
	s3 =	sadd.s32 s4, s19  }
0x9c: {  	s7 =	simm.s32 $0x0;
	s20 =	sshll.u32 s5, $0x1;
	s5 =	sadd.s32 s21, s3  }
0x9d: {  	[timem:s7], [sflag:s22] =	dma.local [hbm:s5], s20  }
0x9e: {  	_ =	swait.ge [sflag:s22], s20  }
0x9f: {  	s4 =	ssub.s32 $0x0, s20;
	[sflag:s22] =	ssyncset.done $0x0  }
0xa0: {  	[sflag:s22] =	ssyncadd.s32 s4;
	_ =	sdelay $0x1  }
0xa1: {  	s23 =	simm.s32 $0x1B8B  }
0xa2: {  	_ =	swait.ge [sflag:s23], $0x1  }
0xa3: {  	[sflag:s23] =	ssyncset.done $0x0  }
0xa4: {  	s25 =	simm.s32 $0x1B8E;
	s24 =	sld [smem:$0x3FFE];
	[sflag:s23] =	ssyncadd.s32 $0xFFFFFFFF  }
0xa5: {  	s26 =	simm.s32 $execute0_lowered;
	[smem:$0x3FD2] =	sst s25  }
0xa6: {  	s5 =	sshll.u32 s26, $0x1;
	_ =	strace $0x80000049;
	[dreg:$0x1] =	wrdreg $0xFFFFFFFF  }
0xa7: {  	s28 =	simm.s32 $_size_execute0_lowered;
	s3 =	sadd.s32 s3, s5;
	[dreg:$0x0] =	wrdreg $0x0  }
0xa8: {  	s5 =	sshll.u32 s28, $0x1;
	[dreg:$0x2] =	wrdreg s3  }
0xa9: {  	[dreg:$0x3] =	wrdreg s5  }
0xaa: {  	[dreg:$0x4] =	wrdreg $0xC0  }
0xab: {  	_ =	task [dreg:s7], $0x5FFFF  }
0xac: {  	[dreg:$0x1] =	wrdreg $0xFFFFFFFF  }
0xad: {  	[dreg:$0x0] =	wrdreg $0x60  }
0xae: {  	[dreg:$0x2] =	wrdreg s2  }
0xaf: {  	[dreg:$0x3] =	wrdreg s24  }
0xb0: {  	[dreg:$0x4] =	wrdreg $0x9  }
0xb1: {  	_ =	task.clear_ibuf [dreg:s7], $0x5FFFF;
	_ =	strace $0x90000049  }
0xb2: {  	s29 =	simm.s32 $0x9;
	_ =	strace $0x8000004B  }
0xb3: {  	_ =	swait.ge [sflag:s29], $0x1  }
0xb4: {  	[sflag:s29] =	ssyncadd.s32 $0xFFFFFFFF  }
0xb5: {  	_ =	strace $0x9000004B  }
0xb6: {  	_ =	sfence  }
0xb7: {  	s30 =	sld [smem:$0x0];
	_ =	sdelay $0x2  }
0xb8: {  	s31 =	sshll.u32 s1, $0xD;
	s1 =	sshrl.u32 s1, $0x2  }
0xb9: {  	s3 =	sand.u32 $0x4000, s31;
	s1 =	sadd.s32 s1, s30  }
0xba: {  	s0 =	sor.u32 s3, s0;
	s1 =	sshll.u32 s1, $0x11  }
0xbb: {  	s0 =	sor.u32 s1, s0  }
0xbc: {  	s0 =	sadd.s32 $0x8F2B, s0  }
0xbd: {  	[sflag:s0] =	ssyncadd.remote.s32 $0x1  }
0xbe: {  	_ =	sfence.sel $0xFFFF  }
0xbf: {  	[dreg:$0x0] =	wrdreg $0xFFFFFFFF;
	(pc) =	sbr.abs _section_cstart, $3  }
0xc0: {  	[dreg:$0x1] =	wrdreg $0xFFFFFFFF  }
0xc1: {  	_ =	task.clear_ibuf [dreg:s7], $0x2FFFF;
	_ =	strace $0x9FFFFFFF  }
0xc2: {  	(tm) =	ssettm $0x7FFFFFFF  }
0xc3: {  	_ =	shalt  }
tec
execute0_lowered:
.L_overlay_start_1:
0x0: {  	(tag) =	ssettag $0x1  }
0x1: {  	s1 =	srdreg.scid;
	s5 =	rddreg [dreg:$0x0]  }
0x2: {  	s0 =	stileid.u32;
	s6 =	rddreg [dreg:$0x1];
	s2 =	simm.s32 $0x0  }
0x3: {  	s11 =	simm.s32 $0x80;
	s12 =	simm.s32 $0x400;
	s13 =	simm.s32 $0x2  }
0x4: {  	s14 =	simm.s32 $0x0;
	s4 =	sand.u32 $0x1, s1;
	s1 =	rddreg [dreg:$0x2]  }
0x5: {  	s26 =	sshll.u32 s0, $0x1;
	s28 =	sshrl.u32 s0, $0x2;
	[smem:$0x7FF] =	sst s2  }
0x6: {  	s3 =	sor.u32 s4, s26;
	s7 =	smul.u32 $0x14000, s28;
	_ =	strace $0x8000004A  }
0x7: {  	s4 =	ssub.s32 $0x2, s4;
	s8 =	sshll.u32 s3, $0x7;
	s29 =	smul.u32 $0x9C4, s3  }
0x8: {  	s3 =	sadd.s32 $0x1C00, s6;
	s9 =	sshrl.u32 s4, $0x1;
	s8 =	sand.u32 $0x380, s8  }
0x9: {  	s9 =	ssub.s32 s4, s9;
	s7 =	sor.u32 s7, s8;
	s30 =	sadd.s32 $0x9C4, s29  }
.Ltmp0:
0xa: {  	s10 =	sshrl.u32 s29, $0x5;
	s7 =	sshrl.u32 s7, $0x3;
	(pc) =	sbr.rel .LBB2_1-.Ltmp0, $4  }
0xb: {  	s31 =	sand.u32 $0x1FFE0, s29;
	s6 =	sadd.s32 s7, s6;
	s7 =	sshrl.u32 s30, $0x5  }
0xc: {  	s8 =	simm.s32 $0x4F00;
	s4 =	sadd.s32 s5, s31;
	s10 =	ssub.s32 s7, s10  }
0xd: {  	s6 =	sadd.s32 $0x2200, s6;
	s7 =	smax.u32 s9, $0x1;
	s9 =	simm.s32 $0x1  }
0xe: {  	v0 =	vimm.f32 $0.0e+00;
	s5 =	sshll.u32 s10, $0x3;
	p0 =	slt.s32 s10, $0x1;
	s10 =	simm.s32 $0x7700  }
.LBB2_6:
0xf: {  	_ =	sdelay $0x3  }
0x10: {  	[tilespmem:v2+s10+$0x0] =	vst.idx.add.f32.msk $0xffff, v1  }
.LBB2_7:
0x11: {  	s14 =	sadd.s32 $0x1, s14  }
0x12: {  	p1 =	seq.s32 s14, s7  }
.Ltmp1:
0x13: {  	_ = 	snop;
	(pc) =	sbr.rel @p1 .LBB2_8-.Ltmp1, $4  }
0x14: {  	[hbm4b:s6+s11] =	stream.strided.scatter [tilespmem:s10], [sflag:$0x2], $0x2800, s12, s11, $0x38;
	[tilespmem:$0x9F00] =	vst v63  }
0x15: {  	_ =	swait.ge [sflag:s13], $0x2800  }
0x16: {  	[sflag:s13] =	ssyncset.done $0x0  }
0x17: {  	[sflag:s13] =	ssyncadd.s32 $0xFFFFD800  }
.LBB2_1:
0x18: {  	[tilespmem:s8], [sflag:$0x1] =	stream.linear.gather [hbm4b:s3+s2], $0x2800, $0x38;
	[tilespmem:$0x9F00] =	vst v63  }
0x19: {  	s15 =	simm.s32 $0x7720  }
0x1a: {  	[tilespmem:s2], [sflag:$0x1] =	stream.linear.gather [hbm4b:s4+s2], $0x4F00, $0x38;
	[tilespmem:$0x9F00] =	vst v63  }
0x1b: {  	[tilespmem:s15+$0xFFFFFFE0] =	vst v0  }
0x1c: {  	[tilespmem:s15+$0x10] =	vst v0  }
0x1d: {  	s16 =	simm.s32 $0x0;
	[tilespmem:s15+$0x0] =	vst v0  }
.LBB2_2:
0x1e: {  	s16 =	sadd.s32 $0x4, s16  }
0x1f: {  	[tilespmem:s15+$0xFFFFFFF0] =	vst v0;
	s15 =	sadd.s32 $0x40, s15;
	p1 =	slt.u32 s16, $0x27C  }
.Ltmp2:
0x20: {  	[tilespmem:s15+$0xFFFFFFE0] =	vst v0;
	(pc) =	sbr.rel @p1 .LBB2_2-.Ltmp2, $3  }
0x21: {  	_ =	sdelay $0x1  }
0x22: {  	[tilespmem:s15+$0x10] =	vst v0  }
0x23: {  	[tilespmem:s15+$0x0] =	vst v0  }
0x24: {  	[tilespmem:s15+$0xFFFFFFF0] =	vst v0  }
0x25: {  	_ =	swait.ge [sflag:s9], $0x2800  }
.Ltmp3:
0x26: {  	[sflag:s9] =	ssyncset.done $0x0;
	(pc) =	sbr.rel @p0 .LBB2_7-.Ltmp3, $4  }
0x27: {  	[sflag:s9] =	ssyncadd.s32 $0xFFFFD800  }
0x28: {  	_ =	swait.ge [sflag:s9], $0x4F00  }
0x29: {  	[sflag:s9] =	ssyncset.done $0x0  }
0x2a: {  	[sflag:s9] =	ssyncadd.s32 $0xFFFFB100  }
0x2b: {  	s15 =	simm.s32 $0x80  }
0x2c: {  	v1 =	vld [tilespmem:s15+$0xFFFFFFF0]  }
0x2d: {  	v2 =	vld [tilespmem:s15+$0xFFFFFF90]  }
0x2e: {  	v3 =	vld [tilespmem:s15+$0xFFFFFFA0]  }
0x2f: {  	v4 =	vld [tilespmem:s15+$0xFFFFFFB0]  }
0x30: {  	v5 =	vld [tilespmem:s15+$0xFFFFFFC0]  }
0x31: {  	v6 =	vld [tilespmem:s15+$0xFFFFFFD0]  }
0x32: {  	v7 =	vld [tilespmem:s15+$0x70]  }
0x33: {  	v8 =	vld [tilespmem:s15+$0xFFFFFFE0]  }
0x34: {  	v9 =	vld [tilespmem:s15+$0xFFFFFF80]  }
0x35: {  	v63 =	vld [tilespmem:s15+$0x0]  }
0x36: {  	v11 =	vld [tilespmem:s15+$0x10]  }
0x37: {  	v12 =	vld [tilespmem:s15+$0x20]  }
0x38: {  	v13 =	vld [tilespmem:s15+$0x30]  }
0x39: {  	v14 =	vld [tilespmem:s15+$0x40]  }
0x3a: {  	v15 =	vld [tilespmem:s15+$0x50]  }
0x3b: {  	v1 =	vld.idx.msk [tilespmem:v1+s8+$0x0], $0xffff  }
0x3c: {  	v10 =	vld.idx.msk [tilespmem:v2+s8+$0x0], $0xffff  }
0x3d: {  	v3 =	vld.idx.msk [tilespmem:v3+s8+$0x0], $0xffff  }
0x3e: {  	v4 =	vld.idx.msk [tilespmem:v4+s8+$0x0], $0xffff  }
0x3f: {  	v5 =	vld.idx.msk [tilespmem:v5+s8+$0x0], $0xffff  }
0x40: {  	v62 =	vld.idx.msk [tilespmem:v9+s8+$0x0], $0xffff  }
0x41: {  	v6 =	vld.idx.msk [tilespmem:v6+s8+$0x0], $0xffff  }
0x42: {  	v2 =	vld [tilespmem:s15+$0x60]  }
0x43: {  	[tilespmem:v7+s10+$0x0] =	vst.idx.add.f32.msk $0xffff, v1  }
0x44: {  	v1 =	vld.idx.msk [tilespmem:v8+s8+$0x0], $0xffff  }
0x45: {  	p1 =	sgt.s32 s5, $0x8;
	[tilespmem:v63+s10+$0x0] =	vst.idx.add.f32.msk $0xffff, v62  }
.Ltmp4:
0x46: {  	[tilespmem:v11+s10+$0x0] =	vst.idx.add.f32.msk $0xffff, v10;
	(pc) =	sbr.rel @!p1 .LBB2_6-.Ltmp4, $4  }
0x47: {  	[tilespmem:v12+s10+$0x0] =	vst.idx.add.f32.msk $0xffff, v3  }
0x48: {  	[tilespmem:v13+s10+$0x0] =	vst.idx.add.f32.msk $0xffff, v4  }
0x49: {  	[tilespmem:v14+s10+$0x0] =	vst.idx.add.f32.msk $0xffff, v5  }
0x4a: {  	s16 =	simm.s32 $0x180;
	s15 =	simm.s32 $0x8;
	[tilespmem:v15+s10+$0x0] =	vst.idx.add.f32.msk $0xffff, v6  }
.LBB2_5:
0x4b: {  	v3 =	vld [tilespmem:s16+$0xFFFFFFF0];
	s15 =	sadd.s32 $0x8, s15  }
0x4c: {  	v4 =	vld [tilespmem:s16+$0xFFFFFF90];
	p1 =	slt.s32 s15, s5  }
0x4d: {  	v5 =	vld [tilespmem:s16+$0xFFFFFFA0]  }
0x4e: {  	v6 =	vld [tilespmem:s16+$0xFFFFFFB0]  }
0x4f: {  	v7 =	vld [tilespmem:s16+$0xFFFFFFC0]  }
0x50: {  	v8 =	vld [tilespmem:s16+$0xFFFFFFD0]  }
0x51: {  	v9 =	vld [tilespmem:s16+$0x70]  }
0x52: {  	v10 =	vld [tilespmem:s16+$0xFFFFFFE0]  }
0x53: {  	v3 =	vld.idx.msk [tilespmem:v3+s8+$0x0], $0xffff  }
0x54: {  	v11 =	vld [tilespmem:s16+$0xFFFFFF80]  }
0x55: {  	v4 =	vld.idx.msk [tilespmem:v4+s8+$0x0], $0xffff  }
0x56: {  	v5 =	vld.idx.msk [tilespmem:v5+s8+$0x0], $0xffff  }
0x57: {  	v6 =	vld.idx.msk [tilespmem:v6+s8+$0x0], $0xffff  }
0x58: {  	v7 =	vld.idx.msk [tilespmem:v7+s8+$0x0], $0xffff  }
0x59: {  	[tilespmem:v9+s10+$0x0] =	vst.idx.add.f32.msk $0xffff, v3  }
0x5a: {  	v3 =	vld.idx.msk [tilespmem:v8+s8+$0x0], $0xffff  }
0x5b: {  	v8 =	vld.idx.msk [tilespmem:v10+s8+$0x0], $0xffff  }
0x5c: {  	v9 =	vld.idx.msk [tilespmem:v11+s8+$0x0], $0xffff  }
0x5d: {  	v10 =	vld [tilespmem:s16+$0x0]  }
0x5e: {  	v11 =	vld [tilespmem:s16+$0x10]  }
0x5f: {  	v12 =	vld [tilespmem:s16+$0x20]  }
0x60: {  	v13 =	vld [tilespmem:s16+$0x30]  }
0x61: {  	v14 =	vld [tilespmem:s16+$0x40]  }
0x62: {  	v15 =	vld [tilespmem:s16+$0x50]  }
0x63: {  	v16 =	vld [tilespmem:s16+$0x60]  }
0x64: {  	[tilespmem:v2+s10+$0x0] =	vst.idx.add.f32.msk $0xffff, v1;
	v1 =	vmov v8  }
0x65: {  	[tilespmem:v10+s10+$0x0] =	vst.idx.add.f32.msk $0xffff, v9  }
.Ltmp5:
0x66: {  	[tilespmem:v11+s10+$0x0] =	vst.idx.add.f32.msk $0xffff, v4;
	(pc) =	sbr.rel @p1 .LBB2_5-.Ltmp5, $4  }
0x67: {  	[tilespmem:v12+s10+$0x0] =	vst.idx.add.f32.msk $0xffff, v5  }
0x68: {  	[tilespmem:v13+s10+$0x0] =	vst.idx.add.f32.msk $0xffff, v6;
	v2 =	vmov v16  }
0x69: {  	[tilespmem:v14+s10+$0x0] =	vst.idx.add.f32.msk $0xffff, v7  }
0x6a: {  	s16 =	sadd.s32 $0x100, s16;
	[tilespmem:v15+s10+$0x0] =	vst.idx.add.f32.msk $0xffff, v3  }
.Ltmp6:
0x6b: {  	_ = 	snop;
	(pc) =	sbr.rel .LBB2_6-.Ltmp6, $1  }
0x6c: {  	_ =	sdelay $0x3  }
.LBB2_8:
0x6d: {  	_ =	sfence.sel $0x180000  }
0x6e: {  	[bflag:$0x0] =	sbarrier.arrive $0xFFFF  }
0x6f: {  	p0 =	sne.s32 s0, $0x0;
	_ =	strace $0x9000004A  }
0x70: {  	s0 =	sadd.s32 @!p0 $0x100000, s1;
	[bflag:$0x2] =	sbarrier.arrive $0xFFFF  }
0x71: {  	[sflag:s0] =	ssyncadd.tile.s32 @!p0 $0x1;
	_ =	shalt  }
.Lfunc_end2:
_tile_overlayer_lowered:
.L_overlay_start_2:
0x72: {  	(tag) =	ssettag $0x2  }
0x73: {  	s0 =	rddreg [dreg:$0x0];
	s2 =	stileid.u32  }
0x74: {  	s1 =	rddreg [dreg:$0x1];
	p0 =	sne.s32 s2, $0x0  }
0x75: {  	s3 =	rddreg [dreg:$0x2];
	[bflag:$0x3] =	sbarrier.arrive $0xFFFF;
	s2 =	simm.s32 @!p0 $0x1C02  }
0x76: {  	[timem:s3], [sflag:s2] =	dma.local @!p0 [hbm:s0], s1  }
0x77: {  	s0 =	simm.s32 @!p0 $0x2  }
0x78: {  	_ =	swait.ge @!p0 [sflag:s0], s1  }
0x79: {  	s1 =	ssub.s32 @!p0 $0x0, s1;
	[sflag:s0] =	ssyncset.done @!p0 $0x0  }
0x7a: {  	[sflag:s0] =	ssyncadd.s32 @!p0 s1  }
0x7b: {  	[bflag:$0x3] =	sbarrier.arrive $0xFFFF  }
0x7c: {  	_ =	shalt  }

</sc_bundles>
